<compile_context>
chip_gen: v7x
topology: tpu7x:2x2x1
jax: 0.10.2.dev20260603
libtpu: 0.0.44.dev20260713+nightly
codegen_flags: <defaults>
</compile_context>

<pallas_src>
import functools
import math

import jax
import jax.numpy as jnp
from jax.experimental import pallas as pl
from jax.experimental.pallas import tpu as pltpu
from jax.experimental.pallas import tpu_sc as plsc

B, T, D, V, DM, DH = 1, 2048, 4, 8192, 1024, 4096
LN_EPS = 1e-05

_NSC = 32
_TT = 128
_QR = 1024
_QC = 2048


def _sc_gather(emb, ids):
    mesh = plsc.VectorSubcoreMesh(core_axis_name="c", subcore_axis_name="s")
    per_w = T // _NSC

    @functools.partial(
        pl.kernel,
        out_type=jax.ShapeDtypeStruct((T, DM), emb.dtype),
        mesh=mesh,
        scratch_types=[
            pltpu.VMEM((per_w,), jnp.int32),
            pltpu.VMEM((per_w, DM), jnp.float32),
            pltpu.SemaphoreType.DMA,
        ],
    )
    def gather_kernel(emb_hbm, ids_hbm, out_hbm, idx_v, rows_v, sem):
        wid = jax.lax.axis_index("s") * 2 + jax.lax.axis_index("c")
        base = wid * per_w
        pltpu.sync_copy(ids_hbm.at[pl.ds(base, per_w)], idx_v)
        pltpu.async_copy(emb_hbm.at[idx_v], rows_v, sem).wait()
        pltpu.sync_copy(rows_v, out_hbm.at[pl.ds(base, per_w)])

    return gather_kernel(emb, ids)


def _mlp_body(h_ref, e_ref, demb_ref, lng_ref, lnb_ref, w1_ref, b1_ref,
              w2_ref, b2_ref, wb_ref, bb_ref, s2_ref, beta_ref):
    R = _TT * D
    x = h_ref[...] + e_ref[...]
    x4 = jnp.broadcast_to(x[:, None, :], (_TT, D, DM)).reshape(R, DM)
    d4 = jnp.broadcast_to(demb_ref[...][None, :, :], (_TT, D, DM)).reshape(R, DM)
    s = x4 + d4
    mu = jnp.mean(s, axis=1, keepdims=True)
    c = s - mu
    var = jnp.mean(c * c, axis=1, keepdims=True)
    sn = c * jax.lax.rsqrt(var + LN_EPS) * lng_ref[...] + lnb_ref[...]
    hpre = jnp.dot(sn.astype(jnp.bfloat16), w1_ref[...],
                   preferred_element_type=jnp.float32) + b1_ref[...]
    h = 0.5 * hpre * (1.0 + jax.lax.erf(hpre * (1.0 / math.sqrt(2.0))))
    s2 = jnp.dot(h.astype(jnp.bfloat16), w2_ref[...],
                 preferred_element_type=jnp.float32) + b2_ref[...]
    s2_ref[...] = s2.astype(jnp.bfloat16)
    beta_ref[...] = (jnp.sum(s2 * wb_ref[...], axis=1) + bb_ref[0, 0]).reshape(1, _TT, D)


def _q_body(s2_ref, wq_ref, bq_ref, q_ref):
    qt = jnp.dot(s2_ref[...], wq_ref[...],
                 preferred_element_type=jnp.float32) + bq_ref[...]
    q_ref[...] = qt.reshape(1, _QR // D, D, _QC)


def kernel(H, input_ids, emb, depth_emb, ln_g, ln_b, W1, b1, W2, b2, Wq, bq, Wb, bb):
    f32 = jnp.float32
    bf16 = jnp.bfloat16

    H2 = H.reshape(T, DM)
    ids = input_ids.reshape(T).astype(jnp.int32)

    E = _sc_gather(emb, ids)

    R = _TT * D
    n_a = T // _TT
    s2_flat, beta = pl.pallas_call(
        _mlp_body,
        grid=(n_a,),
        in_specs=[
            pl.BlockSpec((_TT, DM), lambda i: (i, 0)),
            pl.BlockSpec((_TT, DM), lambda i: (i, 0)),
            pl.BlockSpec((D, DM), lambda i: (0, 0)),
            pl.BlockSpec((1, DM), lambda i: (0, 0)),
            pl.BlockSpec((1, DM), lambda i: (0, 0)),
            pl.BlockSpec((DM, DH), lambda i: (0, 0)),
            pl.BlockSpec((1, DH), lambda i: (0, 0)),
            pl.BlockSpec((DH, DM), lambda i: (0, 0)),
            pl.BlockSpec((1, DM), lambda i: (0, 0)),
            pl.BlockSpec((1, DM), lambda i: (0, 0)),
            pl.BlockSpec((1, 1), lambda i: (0, 0)),
        ],
        out_specs=[
            pl.BlockSpec((R, DM), lambda i: (i, 0)),
            pl.BlockSpec((1, _TT, D), lambda i: (0, i, 0)),
        ],
        out_shape=[
            jax.ShapeDtypeStruct((T * D, DM), bf16),
            jax.ShapeDtypeStruct((B, T, D), f32),
        ],
    )(
        H2, E, depth_emb,
        ln_g.reshape(1, DM), ln_b.reshape(1, DM),
        W1.astype(bf16), b1.reshape(1, DH),
        W2.astype(bf16), b2.reshape(1, DM),
        Wb.reshape(1, DM), bb.reshape(1, 1),
    )

    n_qr = (T * D) // _QR
    n_qc = V // _QC
    q = pl.pallas_call(
        _q_body,
        grid=(n_qc, n_qr),
        in_specs=[
            pl.BlockSpec((_QR, DM), lambda j, i: (i, 0)),
            pl.BlockSpec((DM, _QC), lambda j, i: (0, j)),
            pl.BlockSpec((1, _QC), lambda j, i: (0, j)),
        ],
        out_specs=pl.BlockSpec((1, _QR // D, D, _QC),
                               lambda j, i: (0, i, 0, j)),
        out_shape=jax.ShapeDtypeStruct((B, T, D, V), f32),
    )(s2_flat, Wq.astype(bf16), bq.reshape(1, V))

    return (q, beta)

# --- scband reference (transcript-rebuilt; emitter-appended) ---
"""Pipeline reference for scband-eagle2-decoder-4440996184669 (READ-ONLY COPY).

The authoritative reference and input builder live on the scoring server;
editing this copy changes nothing except your own understanding.
"""

import jax, jax.numpy as jnp
import numpy as np

B, T, D, V, DM, DH = 1, 2048, 4, 8192, 1024, 4096
LN_EPS = 1e-05


def setup_inputs(seed: int = 0) -> dict:
    key = jax.random.key(seed)
    ks = jax.random.split(key, 10)
    H = jax.random.normal(ks[0], (B, T, DM), dtype=jnp.float32)
    input_ids = jax.random.randint(ks[1], (B, T), 0, V, dtype=jnp.int32).astype(jnp.int64) if False else jax.random.randint(ks[1], (B, T), 0, V)
    emb = 0.02 * jax.random.normal(ks[2], (V, DM), dtype=jnp.float32)
    depth_emb = 0.02 * jax.random.normal(ks[3], (D, DM), dtype=jnp.float32)
    ln_g = jnp.ones((DM,), dtype=jnp.float32)
    ln_b = jnp.zeros((DM,), dtype=jnp.float32)
    W1 = 0.02 * jax.random.normal(ks[4], (DM, DH), dtype=jnp.float32)
    b1 = jnp.zeros((DH,), dtype=jnp.float32)
    W2 = 0.02 * jax.random.normal(ks[5], (DH, DM), dtype=jnp.float32)
    b2 = jnp.zeros((DM,), dtype=jnp.float32)
    Wq = 0.02 * jax.random.normal(ks[6], (DM, V), dtype=jnp.float32)
    bq = jnp.zeros((V,), dtype=jnp.float32)
    Wb = 0.02 * jax.random.normal(ks[7], (DM, 1), dtype=jnp.float32)
    bb = jnp.zeros((1,), dtype=jnp.float32)
    return {"H": H, "input_ids": input_ids, "emb": emb, "depth_emb": depth_emb,
            "ln_g": ln_g, "ln_b": ln_b, "W1": W1, "b1": b1, "W2": W2, "b2": b2,
            "Wq": Wq, "bq": bq, "Wb": Wb, "bb": bb}


def reference(H, input_ids, emb, depth_emb, ln_g, ln_b, W1, b1, W2, b2, Wq, bq, Wb, bb):
    # _draft_state: E = token_embedding(input_ids); S = H + E + depth_emb (broadcast over D)
    E = jnp.take(emb, input_ids, axis=0)            # (B, T, DM) gather
    S = H[:, :, None, :] + E[:, :, None, :] + depth_emb[None, None, :, :]  # (B, T, D, DM)
    # LayerNorm
    mu = jnp.mean(S, axis=-1, keepdims=True)
    var = jnp.mean((S - mu) ** 2, axis=-1, keepdims=True)
    Sn = (S - mu) / jnp.sqrt(var + LN_EPS) * ln_g + ln_b
    # MLP: W_2(GELU(W_1(S)))  (torch nn.GELU is exact/erf)
    hdn = jax.nn.gelu(jnp.dot(Sn, W1) + b1, approximate=False)
    S2 = jnp.dot(hdn, W2) + b2                      # (B, T, D, DM)
    # heads
    q = jnp.dot(S2, Wq) + bq                        # (B, T, D, V) multi-depth logits
    beta = (jnp.dot(S2, Wb) + bb)[..., 0]           # (B, T, D) dynamic width logits
    return (q, beta)

if __name__ == "__main__":
    import jax
    _d = setup_inputs()
    print(jax.jit(kernel)(*tuple(_d.values())))

</pallas_src>

<mosaic_0001>
#map = affine_map<(d0, d1) -> (0, 0)>
#map1 = affine_map<(d0, d1) -> (0)>
module attributes {stable_mosaic.version = 14 : i64} {
  func.func @gather_kernel(%arg0: i32, %arg1: i32, %arg2: memref<8192x1024xf32, #tpu.memory_space<hbm>>, %arg3: memref<2048xi32, #tpu.memory_space<hbm>>, %arg4: memref<2048x1024xf32, #tpu.memory_space<hbm>>, %arg5: memref<64xi32, #tpu.memory_space<vmem>>, %arg6: memref<64x1024xf32, #tpu.memory_space<vmem>>, %arg7: memref<!tpu.dma_semaphore, #tpu.memory_space<semaphore_mem>>) attributes {dimension_semantics = [#tpu.dimension_semantics<core_parallel>, #tpu.dimension_semantics<subcore_parallel>], iteration_bounds = array<i64: 2, 16>, scalar_prefetch = 0 : i64, scratch_operands = 3 : i64, tpu.core_type = #tpu.core_type<sc_vector_subcore>, window_params = [{transform_indices = #map}, {transform_indices = #map1}, {transform_indices = #map}]} {
    %mul3A = arith.constant 2 : i32
    %mul3A_0 = arith.muli %arg1, %mul3A : i32
    %add3A = arith.addi %mul3A_0, %arg0 : i32
    %mul3A_1 = arith.constant 64 : i32
    %mul3A_2 = arith.muli %add3A, %mul3A_1 : i32
    "tpu.region"() ({
      %run_scoped3A = tpu.sem_alloc : memref<!tpu.dma_semaphore, #tpu.memory_space<semaphore_mem>>
      %dma_start3A_7 = tpu.memref_slice %arg3[%mul3A_2] : memref<2048xi32, #tpu.memory_space<hbm>> -> memref<64xi32, #tpu.memory_space<hbm>>
      %dma_start3A_8 = tpu.memref_slice %arg3[%mul3A_2] : memref<2048xi32, #tpu.memory_space<hbm>> -> memref<64xi32, #tpu.memory_space<hbm>>
      tpu.enqueue_dma source(%dma_start3A_8 : memref<64xi32, #tpu.memory_space<hbm>>) target(%arg5 : memref<64xi32, #tpu.memory_space<vmem>>) target_semaphore(%run_scoped3A : memref<!tpu.dma_semaphore, #tpu.memory_space<semaphore_mem>>)
      %dma_wait3A_9 = tpu.memref_slice %arg3[%mul3A_2] : memref<2048xi32, #tpu.memory_space<hbm>> -> memref<64xi32, #tpu.memory_space<hbm>>
      %dma_wait3A_10 = tpu.memref_slice %arg3[%mul3A_2] : memref<2048xi32, #tpu.memory_space<hbm>> -> memref<64xi32, #tpu.memory_space<hbm>>
      tpu.wait_dma2 semaphore(%run_scoped3A : memref<!tpu.dma_semaphore, #tpu.memory_space<semaphore_mem>>) src(%dma_wait3A_10 : memref<64xi32, #tpu.memory_space<hbm>>) dst(%arg5 : memref<64xi32, #tpu.memory_space<vmem>>)
      tpu.yield
    }) : () -> ()
    %dma_start3A = arith.constant 0 : i32
    %dma_start3A_3 = arith.constant 0 : i32
    %dma_start3A_4 = tpu.memref_slice %arg2[%dma_start3A, %dma_start3A_3] : memref<8192x1024xf32, #tpu.memory_space<hbm>> -> memref<8192x1024xf32, #tpu.memory_space<hbm>>
    tpu.enqueue_indirect_dma source(%dma_start3A_4 : memref<8192x1024xf32, #tpu.memory_space<hbm>>) target(%arg6 : memref<64x1024xf32, #tpu.memory_space<vmem>>) offsets(%arg5 : memref<64xi32, #tpu.memory_space<vmem>>) semaphore(%arg7 : memref<!tpu.dma_semaphore, #tpu.memory_space<semaphore_mem>>)
    %dma_wait3A = arith.constant 0 : i32
    %dma_wait3A_5 = arith.constant 0 : i32
    %dma_wait3A_6 = tpu.memref_slice %arg2[%dma_wait3A, %dma_wait3A_5] : memref<8192x1024xf32, #tpu.memory_space<hbm>> -> memref<8192x1024xf32, #tpu.memory_space<hbm>>
    tpu.wait_indirect_dma semaphore(%arg7 : memref<!tpu.dma_semaphore, #tpu.memory_space<semaphore_mem>>) src(%dma_wait3A_6 : memref<8192x1024xf32, #tpu.memory_space<hbm>>) dst(%arg6 : memref<64x1024xf32, #tpu.memory_space<vmem>>)
    "tpu.region"() ({
      %run_scoped3A = tpu.sem_alloc : memref<!tpu.dma_semaphore, #tpu.memory_space<semaphore_mem>>
      %dma_start3A_7 = arith.constant 0 : i32
      %dma_start3A_8 = tpu.memref_slice %arg4[%mul3A_2, %dma_start3A_7] : memref<2048x1024xf32, #tpu.memory_space<hbm>> -> memref<64x1024xf32, #tpu.memory_space<hbm>>
      %dma_start3A_9 = arith.constant 0 : i32
      %dma_start3A_10 = tpu.memref_slice %arg4[%mul3A_2, %dma_start3A_9] : memref<2048x1024xf32, #tpu.memory_space<hbm>> -> memref<64x1024xf32, #tpu.memory_space<hbm>>
      tpu.enqueue_dma source(%arg6 : memref<64x1024xf32, #tpu.memory_space<vmem>>) target(%dma_start3A_10 : memref<64x1024xf32, #tpu.memory_space<hbm>>) target_semaphore(%run_scoped3A : memref<!tpu.dma_semaphore, #tpu.memory_space<semaphore_mem>>)
      %dma_wait3A_11 = arith.constant 0 : i32
      %dma_wait3A_12 = tpu.memref_slice %arg4[%mul3A_2, %dma_wait3A_11] : memref<2048x1024xf32, #tpu.memory_space<hbm>> -> memref<64x1024xf32, #tpu.memory_space<hbm>>
      %dma_wait3A_13 = arith.constant 0 : i32
      %dma_wait3A_14 = tpu.memref_slice %arg4[%mul3A_2, %dma_wait3A_13] : memref<2048x1024xf32, #tpu.memory_space<hbm>> -> memref<64x1024xf32, #tpu.memory_space<hbm>>
      tpu.wait_dma2 semaphore(%run_scoped3A : memref<!tpu.dma_semaphore, #tpu.memory_space<semaphore_mem>>) src(%arg6 : memref<64x1024xf32, #tpu.memory_space<vmem>>) dst(%dma_wait3A_14 : memref<64x1024xf32, #tpu.memory_space<hbm>>)
      tpu.yield
    }) : () -> ()
    return
  }
}

module attributes {stable_mosaic.version = 14 : i64} {
  func.func @_mlp_body(%arg0: i32, %arg1: memref<128x1024xf32, #tpu.memory_space<vmem>>, %arg2: memref<128x1024xf32, #tpu.memory_space<vmem>>, %arg3: memref<4x1024xf32, #tpu.memory_space<vmem>>, %arg4: memref<1x1024xf32, #tpu.memory_space<vmem>>, %arg5: memref<1x1024xf32, #tpu.memory_space<vmem>>, %arg6: memref<1024x4096xbf16, #tpu.memory_space<vmem>>, %arg7: memref<1x4096xf32, #tpu.memory_space<vmem>>, %arg8: memref<4096x1024xbf16, #tpu.memory_space<vmem>>, %arg9: memref<1x1024xf32, #tpu.memory_space<vmem>>, %arg10: memref<1x1024xf32, #tpu.memory_space<vmem>>, %arg11: memref<1x1xf32, #tpu.memory_space<vmem>>, %arg12: memref<512x1024xbf16, #tpu.memory_space<vmem>>, %arg13: memref<1x128x4xf32, #tpu.memory_space<vmem>>) attributes {dimension_semantics = [#tpu.dimension_semantics<arbitrary>], iteration_bounds = array<i64: 16>, scalar_prefetch = 0 : i64, scratch_operands = 0 : i64, tpu.core_type = #tpu.core_type<tc>, window_params = [{transform_indices = @transform_0, window_bounds = array<i64: 128, 1024>}, {transform_indices = @transform_1, window_bounds = array<i64: 128, 1024>}, {pipeline_mode = #tpu.pipeline_mode<synchronous>, transform_indices = @transform_2, window_bounds = array<i64: 4, 1024>}, {pipeline_mode = #tpu.pipeline_mode<synchronous>, transform_indices = @transform_3, window_bounds = array<i64: 1, 1024>}, {pipeline_mode = #tpu.pipeline_mode<synchronous>, transform_indices = @transform_4, window_bounds = array<i64: 1, 1024>}, {pipeline_mode = #tpu.pipeline_mode<synchronous>, transform_indices = @transform_5, window_bounds = array<i64: 1024, 4096>}, {pipeline_mode = #tpu.pipeline_mode<synchronous>, transform_indices = @transform_6, window_bounds = array<i64: 1, 4096>}, {pipeline_mode = #tpu.pipeline_mode<synchronous>, transform_indices = @transform_7, window_bounds = array<i64: 4096, 1024>}, {pipeline_mode = #tpu.pipeline_mode<synchronous>, transform_indices = @transform_8, window_bounds = array<i64: 1, 1024>}, {pipeline_mode = #tpu.pipeline_mode<synchronous>, transform_indices = @transform_9, window_bounds = array<i64: 1, 1024>}, {pipeline_mode = #tpu.pipeline_mode<synchronous>, transform_indices = @transform_10, window_bounds = array<i64: 1, 1>}, {transform_indices = @transform_11, window_bounds = array<i64: 512, 1024>}, {transform_indices = @transform_12, window_bounds = array<i64: 1, 128, 4>}]} {
    %get3A = arith.constant 0 : index
    %get3A_0 = arith.constant 0 : index
    %get3A_1 = vector.load %arg1[%get3A, %get3A_0] : memref<128x1024xf32, #tpu.memory_space<vmem>>, vector<128x1024xf32>
    %get3A_2 = arith.constant 0 : index
    %get3A_3 = arith.constant 0 : index
    %get3A_4 = vector.load %arg2[%get3A_2, %get3A_3] : memref<128x1024xf32, #tpu.memory_space<vmem>>, vector<128x1024xf32>
    %add3A = arith.addf %get3A_1, %get3A_4 : vector<128x1024xf32>
    %broadcast_in_dim3A = vector.shape_cast %add3A : vector<128x1024xf32> to vector<128x1x1024xf32>
    %broadcast_in_dim3A_5 = vector.shape_cast %broadcast_in_dim3A : vector<128x1x1024xf32> to vector<128x1x1024xf32>
    %broadcast_in_dim3A_6 = vector.broadcast %broadcast_in_dim3A_5 : vector<128x1x1024xf32> to vector<128x4x1024xf32>
    %reshape3A = vector.shape_cast %broadcast_in_dim3A_6 : vector<128x4x1024xf32> to vector<512x1024xf32>
    %get3A_7 = arith.constant 0 : index
    %get3A_8 = arith.constant 0 : index
    %get3A_9 = vector.load %arg3[%get3A_7, %get3A_8] : memref<4x1024xf32, #tpu.memory_space<vmem>>, vector<4x1024xf32>
    %broadcast_in_dim3A_10 = vector.shape_cast %get3A_9 : vector<4x1024xf32> to vector<1x4x1024xf32>
    %broadcast_in_dim3A_11 = vector.shape_cast %broadcast_in_dim3A_10 : vector<1x4x1024xf32> to vector<1x4x1024xf32>
    %broadcast_in_dim3A_12 = vector.broadcast %broadcast_in_dim3A_11 : vector<1x4x1024xf32> to vector<128x4x1024xf32>
    %reshape3A_13 = vector.shape_cast %broadcast_in_dim3A_12 : vector<128x4x1024xf32> to vector<512x1024xf32>
    %add3A_14 = arith.addf %reshape3A, %reshape3A_13 : vector<512x1024xf32>
    %reduce_sum3A = arith.constant dense<0.000000e+00> : vector<512xf32>
    %reduce_sum3A_15 = vector.multi_reduction <add>, %add3A_14, %reduce_sum3A [1] : vector<512x1024xf32> to vector<512xf32>
    %broadcast_in_dim3A_16 = vector.shape_cast %reduce_sum3A_15 : vector<512xf32> to vector<512x1xf32>
    %div3A = arith.constant 1.024000e+03 : f32
    %div3A_17 = vector.broadcast %div3A : f32 to vector<512x1xf32>
    %div3A_18 = arith.divf %broadcast_in_dim3A_16, %div3A_17 : vector<512x1xf32>
    %sub3A = vector.broadcast %div3A_18 : vector<512x1xf32> to vector<512x1024xf32>
    %sub3A_19 = arith.subf %add3A_14, %sub3A : vector<512x1024xf32>
    %mul3A = arith.mulf %sub3A_19, %sub3A_19 : vector<512x1024xf32>
    %reduce_sum3A_20 = arith.constant dense<0.000000e+00> : vector<512xf32>
    %reduce_sum3A_21 = vector.multi_reduction <add>, %mul3A, %reduce_sum3A_20 [1] : vector<512x1024xf32> to vector<512xf32>
    %broadcast_in_dim3A_22 = vector.shape_cast %reduce_sum3A_21 : vector<512xf32> to vector<512x1xf32>
    %div3A_23 = arith.constant 1.024000e+03 : f32
    %div3A_24 = vector.broadcast %div3A_23 : f32 to vector<512x1xf32>
    %div3A_25 = arith.divf %broadcast_in_dim3A_22, %div3A_24 : vector<512x1xf32>
    %add3A_26 = arith.constant 9.99999974E-6 : f32
    %add3A_27 = vector.broadcast %add3A_26 : f32 to vector<512x1xf32>
    %add3A_28 = arith.addf %div3A_25, %add3A_27 : vector<512x1xf32>
    %rsqrt3A = math.rsqrt %add3A_28 : vector<512x1xf32>
    %mul3A_29 = vector.broadcast %rsqrt3A : vector<512x1xf32> to vector<512x1024xf32>
    %mul3A_30 = arith.mulf %sub3A_19, %mul3A_29 : vector<512x1024xf32>
    %get3A_31 = arith.constant 0 : index
    %get3A_32 = arith.constant 0 : index
    %get3A_33 = vector.load %arg4[%get3A_31, %get3A_32] : memref<1x1024xf32, #tpu.memory_space<vmem>>, vector<1x1024xf32>
    %mul3A_34 = vector.broadcast %get3A_33 : vector<1x1024xf32> to vector<512x1024xf32>
    %mul3A_35 = arith.mulf %mul3A_30, %mul3A_34 : vector<512x1024xf32>
    %get3A_36 = arith.constant 0 : index
    %get3A_37 = arith.constant 0 : index
    %get3A_38 = vector.load %arg5[%get3A_36, %get3A_37] : memref<1x1024xf32, #tpu.memory_space<vmem>>, vector<1x1024xf32>
    %add3A_39 = vector.broadcast %get3A_38 : vector<1x1024xf32> to vector<512x1024xf32>
    %add3A_40 = arith.addf %mul3A_35, %add3A_39 : vector<512x1024xf32>
    %convert_element_type3A = arith.truncf %add3A_40 : vector<512x1024xf32> to vector<512x1024xbf16>
    %get3A_41 = arith.constant 0 : index
    %get3A_42 = arith.constant 0 : index
    %get3A_43 = vector.load %arg6[%get3A_41, %get3A_42] : memref<1024x4096xbf16, #tpu.memory_space<vmem>>, vector<1024x4096xbf16>
    %dot_general3A = arith.constant dense<0.000000e+00> : vector<512x4096xf32>
    %dot_general3A_44 = tpu.matmul %convert_element_type3A, %get3A_43, %dot_general3A {dimension_numbers = #tpu.dot_dimension_numbers<[1], [0], [0], [1], [0, 0, 1, 1], [], []>, transpose_lhs_hint = false} : vector<512x1024xbf16>, vector<1024x4096xbf16>, vector<512x4096xf32> -> vector<512x4096xf32>
    %get3A_45 = arith.constant 0 : index
    %get3A_46 = arith.constant 0 : index
    %get3A_47 = vector.load %arg7[%get3A_45, %get3A_46] : memref<1x4096xf32, #tpu.memory_space<vmem>>, vector<1x4096xf32>
    %add3A_48 = vector.broadcast %get3A_47 : vector<1x4096xf32> to vector<512x4096xf32>
    %add3A_49 = arith.addf %dot_general3A_44, %add3A_48 : vector<512x4096xf32>
    %mul3A_50 = arith.constant 5.000000e-01 : f32
    %mul3A_51 = vector.broadcast %mul3A_50 : f32 to vector<512x4096xf32>
    %mul3A_52 = arith.mulf %mul3A_51, %add3A_49 : vector<512x4096xf32>
    %mul3A_53 = arith.constant 0.707106769 : f32
    %mul3A_54 = vector.broadcast %mul3A_53 : f32 to vector<512x4096xf32>
    %mul3A_55 = arith.mulf %add3A_49, %mul3A_54 : vector<512x4096xf32>
    %erf3A = math.erf %mul3A_55 : vector<512x4096xf32>
    %add3A_56 = arith.constant 1.000000e+00 : f32
    %add3A_57 = vector.broadcast %add3A_56 : f32 to vector<512x4096xf32>
    %add3A_58 = arith.addf %add3A_57, %erf3A : vector<512x4096xf32>
    %mul3A_59 = arith.mulf %mul3A_52, %add3A_58 : vector<512x4096xf32>
    %convert_element_type3A_60 = arith.truncf %mul3A_59 : vector<512x4096xf32> to vector<512x4096xbf16>
    %get3A_61 = arith.constant 0 : index
    %get3A_62 = arith.constant 0 : index
    %get3A_63 = vector.load %arg8[%get3A_61, %get3A_62] : memref<4096x1024xbf16, #tpu.memory_space<vmem>>, vector<4096x1024xbf16>
    %dot_general3A_64 = arith.constant dense<0.000000e+00> : vector<512x1024xf32>
    %dot_general3A_65 = tpu.matmul %convert_element_type3A_60, %get3A_63, %dot_general3A_64 {dimension_numbers = #tpu.dot_dimension_numbers<[1], [0], [0], [1], [0, 0, 1, 1], [], []>, transpose_lhs_hint = false} : vector<512x4096xbf16>, vector<4096x1024xbf16>, vector<512x1024xf32> -> vector<512x1024xf32>
    %get3A_66 = arith.constant 0 : index
    %get3A_67 = arith.constant 0 : index
    %get3A_68 = vector.load %arg9[%get3A_66, %get3A_67] : memref<1x1024xf32, #tpu.memory_space<vmem>>, vector<1x1024xf32>
    %add3A_69 = vector.broadcast %get3A_68 : vector<1x1024xf32> to vector<512x1024xf32>
    %add3A_70 = arith.addf %dot_general3A_65, %add3A_69 : vector<512x1024xf32>
    %convert_element_type3A_71 = arith.truncf %add3A_70 : vector<512x1024xf32> to vector<512x1024xbf16>
    %swap3A = arith.constant 0 : index
    %swap3A_72 = arith.constant 0 : index
    %swap3A_73 = vector.load %arg12[%swap3A, %swap3A_72] : memref<512x1024xbf16, #tpu.memory_space<vmem>>, vector<512x1024xbf16>
    tpu.vector_store %arg12[%swap3A, %swap3A_72], %convert_element_type3A_71 {strides = array<i32>} : memref<512x1024xbf16, #tpu.memory_space<vmem>>, vector<512x1024xbf16>,
    %get3A_74 = arith.constant 0 : index
    %get3A_75 = arith.constant 0 : index
    %get3A_76 = vector.load %arg10[%get3A_74, %get3A_75] : memref<1x1024xf32, #tpu.memory_space<vmem>>, vector<1x1024xf32>
    %mul3A_77 = vector.broadcast %get3A_76 : vector<1x1024xf32> to vector<512x1024xf32>
    %mul3A_78 = arith.mulf %add3A_70, %mul3A_77 : vector<512x1024xf32>
    %reduce_sum3A_79 = arith.constant dense<0.000000e+00> : vector<512xf32>
    %reduce_sum3A_80 = vector.multi_reduction <add>, %mul3A_78, %reduce_sum3A_79 [1] : vector<512x1024xf32> to vector<512xf32>
    %get3A_81 = arith.constant 0 : index
    %get3A_82 = arith.constant 0 : index
    %get3A_83 = vector.load %arg11[%get3A_81, %get3A_82] : memref<1x1xf32, #tpu.memory_space<vmem>>, vector<1x1xf32>
    %get3A_84 = vector.extract %get3A_83[0, 0] : f32 from vector<1x1xf32>
    %add3A_85 = vector.broadcast %get3A_84 : f32 to vector<512xf32>
    %add3A_86 = arith.addf %reduce_sum3A_80, %add3A_85 : vector<512xf32>
    %reshape3A_87 = vector.shape_cast %add3A_86 : vector<512xf32> to vector<1x128x4xf32>
    %swap3A_88 = arith.constant 0 : index
    %swap3A_89 = arith.constant 0 : index
    %swap3A_90 = arith.constant 0 : index
    %swap3A_91 = vector.load %arg13[%swap3A_88, %swap3A_89, %swap3A_90] : memref<1x128x4xf32, #tpu.memory_space<vmem>>, vector<1x128x4xf32>
    tpu.vector_store %arg13[%swap3A_88, %swap3A_89, %swap3A_90], %reshape3A_87 {strides = array<i32>} : memref<1x128x4xf32, #tpu.memory_space<vmem>>, vector<1x128x4xf32>,
    return
  }
  func.func @transform_0(%arg0: i32) -> (i32, i32) {
    %c0_i32 = arith.constant 0 : i32
    %c0_i32_0 = arith.constant 0 : i32
    return %arg0, %c0_i32 : i32, i32
  }
  func.func @transform_1(%arg0: i32) -> (i32, i32) {
    %c0_i32 = arith.constant 0 : i32
    %c0_i32_0 = arith.constant 0 : i32
    return %arg0, %c0_i32 : i32, i32
  }
  func.func @transform_2(%arg0: i32) -> (i32, i32) {
    %c0_i32 = arith.constant 0 : i32
    %c0_i32_0 = arith.constant 0 : i32
    %c0_i32_1 = arith.constant 0 : i32
    return %c0_i32, %c0_i32_0 : i32, i32
  }
  func.func @transform_3(%arg0: i32) -> (i32, i32) {
    %c0_i32 = arith.constant 0 : i32
    %c0_i32_0 = arith.constant 0 : i32
    %c0_i32_1 = arith.constant 0 : i32
    return %c0_i32, %c0_i32_0 : i32, i32
  }
  func.func @transform_4(%arg0: i32) -> (i32, i32) {
    %c0_i32 = arith.constant 0 : i32
    %c0_i32_0 = arith.constant 0 : i32
    %c0_i32_1 = arith.constant 0 : i32
    return %c0_i32, %c0_i32_0 : i32, i32
  }
  func.func @transform_5(%arg0: i32) -> (i32, i32) {
    %c0_i32 = arith.constant 0 : i32
    %c0_i32_0 = arith.constant 0 : i32
    %c0_i32_1 = arith.constant 0 : i32
    return %c0_i32, %c0_i32_0 : i32, i32
  }
  func.func @transform_6(%arg0: i32) -> (i32, i32) {
    %c0_i32 = arith.constant 0 : i32
    %c0_i32_0 = arith.constant 0 : i32
    %c0_i32_1 = arith.constant 0 : i32
    return %c0_i32, %c0_i32_0 : i32, i32
  }
  func.func @transform_7(%arg0: i32) -> (i32, i32) {
    %c0_i32 = arith.constant 0 : i32
    %c0_i32_0 = arith.constant 0 : i32
    %c0_i32_1 = arith.constant 0 : i32
    return %c0_i32, %c0_i32_0 : i32, i32
  }
  func.func @transform_8(%arg0: i32) -> (i32, i32) {
    %c0_i32 = arith.constant 0 : i32
    %c0_i32_0 = arith.constant 0 : i32
    %c0_i32_1 = arith.constant 0 : i32
    return %c0_i32, %c0_i32_0 : i32, i32
  }
  func.func @transform_9(%arg0: i32) -> (i32, i32) {
    %c0_i32 = arith.constant 0 : i32
    %c0_i32_0 = arith.constant 0 : i32
    %c0_i32_1 = arith.constant 0 : i32
    return %c0_i32, %c0_i32_0 : i32, i32
  }
  func.func @transform_10(%arg0: i32) -> (i32, i32) {
    %c0_i32 = arith.constant 0 : i32
    %c0_i32_0 = arith.constant 0 : i32
    %c0_i32_1 = arith.constant 0 : i32
    return %c0_i32, %c0_i32_0 : i32, i32
  }
  func.func @transform_11(%arg0: i32) -> (i32, i32) {
    %c0_i32 = arith.constant 0 : i32
    %c0_i32_0 = arith.constant 0 : i32
    return %arg0, %c0_i32 : i32, i32
  }
  func.func @transform_12(%arg0: i32) -> (i32, i32, i32) {
    %c0_i32 = arith.constant 0 : i32
    %c0_i32_0 = arith.constant 0 : i32
    %c0_i32_1 = arith.constant 0 : i32
    return %c0_i32, %arg0, %c0_i32_0 : i32, i32, i32
  }
}

module attributes {stable_mosaic.version = 14 : i64} {
  func.func @_q_body(%arg0: i32, %arg1: i32, %arg2: memref<1024x1024xbf16, #tpu.memory_space<vmem>>, %arg3: memref<1024x2048xbf16, #tpu.memory_space<vmem>>, %arg4: memref<1x2048xf32, #tpu.memory_space<vmem>>, %arg5: memref<1x256x4x2048xf32, #tpu.memory_space<vmem>>) attributes {dimension_semantics = [#tpu.dimension_semantics<arbitrary>, #tpu.dimension_semantics<arbitrary>], iteration_bounds = array<i64: 4, 8>, scalar_prefetch = 0 : i64, scratch_operands = 0 : i64, tpu.core_type = #tpu.core_type<tc>, window_params = [{transform_indices = @transform_0, window_bounds = array<i64: 1024, 1024>}, {transform_indices = @transform_1, window_bounds = array<i64: 1024, 2048>}, {transform_indices = @transform_2, window_bounds = array<i64: 1, 2048>}, {transform_indices = @transform_3, window_bounds = array<i64: 1, 256, 4, 2048>}]} {
    %get3A = arith.constant 0 : index
    %get3A_0 = arith.constant 0 : index
    %get3A_1 = vector.load %arg2[%get3A, %get3A_0] : memref<1024x1024xbf16, #tpu.memory_space<vmem>>, vector<1024x1024xbf16>
    %get3A_2 = arith.constant 0 : index
    %get3A_3 = arith.constant 0 : index
    %get3A_4 = vector.load %arg3[%get3A_2, %get3A_3] : memref<1024x2048xbf16, #tpu.memory_space<vmem>>, vector<1024x2048xbf16>
    %dot_general3A = arith.constant dense<0.000000e+00> : vector<1024x2048xf32>
    %dot_general3A_5 = tpu.matmul %get3A_1, %get3A_4, %dot_general3A {dimension_numbers = #tpu.dot_dimension_numbers<[1], [0], [0], [1], [0, 0, 1, 1], [], []>, transpose_lhs_hint = false} : vector<1024x1024xbf16>, vector<1024x2048xbf16>, vector<1024x2048xf32> -> vector<1024x2048xf32>
    %get3A_6 = arith.constant 0 : index
    %get3A_7 = arith.constant 0 : index
    %get3A_8 = vector.load %arg4[%get3A_6, %get3A_7] : memref<1x2048xf32, #tpu.memory_space<vmem>>, vector<1x2048xf32>
    %add3A = vector.broadcast %get3A_8 : vector<1x2048xf32> to vector<1024x2048xf32>
    %add3A_9 = arith.addf %dot_general3A_5, %add3A : vector<1024x2048xf32>
    %reshape3A = vector.shape_cast %add3A_9 : vector<1024x2048xf32> to vector<1x256x4x2048xf32>
    %swap3A = arith.constant 0 : index
    %swap3A_10 = arith.constant 0 : index
    %swap3A_11 = arith.constant 0 : index
    %swap3A_12 = arith.constant 0 : index
    %swap3A_13 = vector.load %arg5[%swap3A, %swap3A_10, %swap3A_11, %swap3A_12] : memref<1x256x4x2048xf32, #tpu.memory_space<vmem>>, vector<1x256x4x2048xf32>
    tpu.vector_store %arg5[%swap3A, %swap3A_10, %swap3A_11, %swap3A_12], %reshape3A {strides = array<i32>} : memref<1x256x4x2048xf32, #tpu.memory_space<vmem>>, vector<1x256x4x2048xf32>,
    return
  }
  func.func @transform_0(%arg0: i32, %arg1: i32) -> (i32, i32) {
    %c0_i32 = arith.constant 0 : i32
    %c0_i32_0 = arith.constant 0 : i32
    return %arg1, %c0_i32 : i32, i32
  }
  func.func @transform_1(%arg0: i32, %arg1: i32) -> (i32, i32) {
    %c0_i32 = arith.constant 0 : i32
    %c0_i32_0 = arith.constant 0 : i32
    return %c0_i32, %arg0 : i32, i32
  }
  func.func @transform_2(%arg0: i32, %arg1: i32) -> (i32, i32) {
    %c0_i32 = arith.constant 0 : i32
    %c0_i32_0 = arith.constant 0 : i32
    return %c0_i32, %arg0 : i32, i32
  }
  func.func @transform_3(%arg0: i32, %arg1: i32) -> (i32, i32, i32, i32) {
    %c0_i32 = arith.constant 0 : i32
    %c0_i32_0 = arith.constant 0 : i32
    %c0_i32_1 = arith.constant 0 : i32
    return %c0_i32, %arg1, %c0_i32_0, %arg0 : i32, i32, i32, i32
  }
}

</mosaic_0001>

<sc_bundles>
// kernel: kernel.5.cloned.1.call-start
scs
__scs_entry_jumppad:
0x0: {  	(pc) =	sbr.rel $0x88, $3  }
0x1: {  	(tag) =	ssettag $0x0;
	lr =	simm.s32 $0x1  }
0x2: {  	[smem:$0x3F93] =	sst lr;
	_ =	strace $0xD0000000  }
0x3: {  	_ = 	snop  }
0x4: {  	_ = 	snop  }
0x5: {  	_ = 	snop  }
0x6: {  	_ = 	snop  }
0x7: {  	_ = 	snop  }
__scs_overlays_trampoline_lowered:
0x8: {  	[smem:$0x3FA2] =	sst s0  }
0x9: {  	[smem:$0x3FA3] =	sst s1  }
0xa: {  	[smem:$0x3FA4] =	sst s2  }
0xb: {  	[smem:$0x3FA5] =	sst s3  }
0xc: {  	[smem:$0x3FA6] =	sst s4  }
0xd: {  	[smem:$0x3FA7] =	sst s5  }
0xe: {  	[smem:$0x3FA8] =	sst s6  }
0xf: {  	[smem:$0x3FA9] =	sst s7  }
0x10: {  	[smem:$0x3FAA] =	sst s8  }
0x11: {  	[smem:$0x3FAB] =	sst s9;
	s0 =	simm.s32 @!p0 $0x0  }
0x12: {  	s1 =	sld [smem:$0x3F91];
	s0 =	simm.s32 @p0 $0x1  }
0x13: {  	[smem:$0x3FAC] =	sst s0;
	s0 =	simm.s32 @!p1 $0x0  }
0x14: {  	s2 =	sld [smem:$0x3F90];
	s0 =	simm.s32 @p1 $0x1  }
0x15: {  	[smem:$0x3FAD] =	sst s0;
	s0 =	simm.s32 @!p2 $0x0  }
0x16: {  	s3 =	sld [smem:$0x3FDB];
	s0 =	simm.s32 @p2 $0x1  }
0x17: {  	s4 =	simm.s32 $0x1BF5;
	[smem:$0x3FAF] =	sst s0  }
0x18: {  	s0 =	sld [smem:$0x3F92];
	_ =	swait.ge [sflag:s4], $0x0  }
0x19: {  	s7 =	sld [smem:$0x3F93]  }
0x1a: {  	s8 =	sadd.s32 $0xFFFFE003, lr  }
0x1b: {  	s9 =	sadd.s32 $0xFFFFFEF7, lr;
	s5 =	simm.s32 $0xFFFFFFFF;
	p2 =	slt.u32 s8, $0xFFFFF086  }
0x1c: {  	p1 =	slt.u32 s9, $0xF7A;
	s5 =	simm.s32 @!p2 $0x0  }
0x1d: {  	s5 =	simm.s32 @p1 $0x1;
	p0 =	seq.s32 s7, s2  }
0x1e: {  	s7 =	smul.u32 @!p0 $0xF7A, s2;
	p2 =	seq.s32 @!p0 s5, $0x0  }
0x1f: {  	s9 =	smul.u32 $0xF7A, s1;
	s8 =	simm.s32 @!p0 $0x1BF5;
	p2 =	por !p2, p0  }
0x20: {  	[sflag:s8] =	ssyncset.s32 @!p0 $0xFFFFF086;
	s6 =	sadd.s32 @!p0 s3, s7;
	s7 =	simm.s32 @!p0 $0x108  }
0x21: {  	s3 =	sadd.s32 s3, s9;
	s6 =	sadd.s32 @!p0 $0x88, s6;
	s7 =	simm.s32 @p2 $0x1082  }
0x22: {  	[simem:s7], [sflag:s8] =	dma.local @!p0 [hbm:s6], $0xF7A  }
0x23: {  	s9 =	sor.u32 $0xD0000000, s2;
	s6 =	simm.s32 $0x108;
	_ =	swait.ge @!p0 [sflag:s8], $0x0  }
0x24: {  	s3 =	sadd.s32 $0x88, s3;
	s6 =	simm.s32 @!p1 $0x1082;
	[sflag:s4] =	ssyncset.s32 $0xFFFFF086  }
0x25: {  	[simem:s6], [sflag:s4] =	dma.local [hbm:s3], $0xF7A  }
0x26: {  	[smem:$0x3F93] =	sst s1;
	(tag) =	ssettag s2;
	_ =	strace s9  }
0x27: {  	s1 =	sld [smem:$0x3FA3]  }
0x28: {  	s2 =	sld [smem:$0x3FA4]  }
0x29: {  	s4 =	sld [smem:$0x3FA6]  }
0x2a: {  	p0 =	seq.s32 s5, $0x0;
	s5 =	sld [smem:$0x3FA7]  }
0x2b: {  	s6 =	sld [smem:$0x3FA8]  }
0x2c: {  	s7 =	sld [smem:$0x3FA9]  }
0x2d: {  	s3 =	simm.s32 $0x108;
	s8 =	sld [smem:$0x3FAA]  }
0x2e: {  	s3 =	simm.s32 @!p0 $0x1082;
	s9 =	sld [smem:$0x3FAB]  }
0x2f: {  	lr =	sadd.s32 s0, s3;
	s0 =	sld [smem:$0x3FA2]  }
0x30: {  	s3 =	sld [smem:$0x3FA5]  }
0x31: {  	[smem:$0x3FAE] =	sst s10  }
0x32: {  	s10 =	sld [smem:$0x3FAC];
	_ =	sdelay $0x3  }
0x33: {  	p0 =	seq.s32 s10, $0x1;
	s10 =	sld [smem:$0x3FAE];
	_ =	sdelay $0x3  }
0x34: {  	[smem:$0x3FAE] =	sst s10  }
0x35: {  	s10 =	sld [smem:$0x3FAD];
	_ =	sdelay $0x3  }
0x36: {  	p1 =	seq.s32 s10, $0x1;
	s10 =	sld [smem:$0x3FAE];
	_ =	sdelay $0x3  }
0x37: {  	[smem:$0x3FAE] =	sst s10  }
0x38: {  	s10 =	sld [smem:$0x3FAF]  }
0x39: {  	_ = 	snop;
	(pc) =	sbr.ind lr, $3  }
0x3a: {  	_ = 	snop  }
0x3b: {  	_ = 	snop  }
0x3c: {  	p2 =	seq.s32 s10, $0x1;
	s10 =	sld [smem:$0x3FAE]  }
0x3d: {  	_ =	shalt  }
0x3e: {  	_ =	shalt  }
0x3f: {  	_ =	shalt  }
0x40: {  	_ =	shalt  }
0x41: {  	_ =	shalt  }
0x42: {  	_ =	shalt  }
0x43: {  	_ =	shalt  }
0x44: {  	_ =	shalt  }
0x45: {  	_ =	shalt  }
0x46: {  	_ =	shalt  }
0x47: {  	_ =	shalt  }
0x48: {  	_ =	shalt  }
0x49: {  	_ =	shalt  }
0x4a: {  	_ =	shalt  }
0x4b: {  	_ =	shalt  }
0x4c: {  	_ =	shalt  }
0x4d: {  	_ =	shalt  }
0x4e: {  	_ =	shalt  }
0x4f: {  	_ =	shalt  }
0x50: {  	_ =	shalt  }
0x51: {  	_ =	shalt  }
0x52: {  	_ =	shalt  }
0x53: {  	_ =	shalt  }
0x54: {  	_ =	shalt  }
0x55: {  	_ =	shalt  }
0x56: {  	_ =	shalt  }
0x57: {  	_ =	shalt  }
0x58: {  	_ =	shalt  }
0x59: {  	_ =	shalt  }
0x5a: {  	_ =	shalt  }
0x5b: {  	_ =	shalt  }
0x5c: {  	_ =	shalt  }
0x5d: {  	_ =	shalt  }
0x5e: {  	_ =	shalt  }
0x5f: {  	_ =	shalt  }
0x60: {  	_ =	shalt  }
0x61: {  	_ =	shalt  }
0x62: {  	_ =	shalt  }
0x63: {  	_ =	shalt  }
0x64: {  	_ =	shalt  }
0x65: {  	_ =	shalt  }
0x66: {  	_ =	shalt  }
0x67: {  	_ =	shalt  }
0x68: {  	_ =	shalt  }
0x69: {  	_ =	shalt  }
0x6a: {  	_ =	shalt  }
0x6b: {  	_ =	shalt  }
0x6c: {  	_ =	shalt  }
0x6d: {  	_ =	shalt  }
0x6e: {  	_ =	shalt  }
0x6f: {  	_ =	shalt  }
0x70: {  	_ =	shalt  }
0x71: {  	_ =	shalt  }
0x72: {  	_ =	shalt  }
0x73: {  	_ =	shalt  }
0x74: {  	_ =	shalt  }
0x75: {  	_ =	shalt  }
0x76: {  	_ =	shalt  }
0x77: {  	_ =	shalt  }
0x78: {  	_ =	shalt  }
0x79: {  	_ =	shalt  }
0x7a: {  	_ =	shalt  }
0x7b: {  	_ =	shalt  }
0x7c: {  	_ =	shalt  }
0x7d: {  	_ =	shalt  }
0x7e: {  	_ =	shalt  }
0x7f: {  	_ =	shalt  }
0x80: {  	_ =	shalt  }
0x81: {  	_ =	shalt  }
0x82: {  	_ =	shalt  }
0x83: {  	_ =	shalt  }
0x84: {  	_ =	shalt  }
0x85: {  	_ =	shalt  }
0x86: {  	_ =	shalt  }
0x87: {  	_ =	shalt  }
.Lfunc_end0:
.L_simem_size_0:
called_computation_lowered:
.L_overlay_start_0:
0x88: {  	s2 =	sld [smem:$0x3FD9]  }
0x89: {  	s3 =	sld [smem:$0x3FFE];
	_ =	sdelay $0x1  }
0x8a: {  	s1 =	srdreg.scid  }
0x8b: {  	s0 =	sand.u32 $0x1, s1  }
0x8c: {  	s15 =	sshll.u32 s0, $0xA;
	s2 =	sadd.s32 s3, s2  }
0x8d: {  	s2 =	sadd.s32 s2, s15  }
0x8e: {  	[smem:$0x3FBA] =	sst s2  }
0x8f: {  	_ = 	snop  }
0x90: {  	s2 =	sld [smem:$0x3FD0];
	_ =	sdelay $0x1  }
0x91: {  	s16 =	sld [smem:$0x3FC8]  }
0x92: {  	s5 =	simm.s32 $0xA;
	s6 =	simm.s32 $0x10;
	s4 =	sld [smem:$0x3FC7]  }
0x93: {  	[smem:s6], [sflag:s5] =	dma.local [hbm:s2], $0x1  }
0x94: {  	_ =	swait.eq [sflag:s5], $0x1  }
0x95: {  	[sflag:s5] =	ssyncset.done $0x0  }
0x96: {  	[sflag:s5] =	ssyncadd.s32 $0xFFFFFFFF  }
0x97: {  	s17 =	sld [smem:$0x10];
	(tm) =	ssettm $0x1  }
0x98: {  	s18 =	sld [smem:$0x3FFB];
	_ =	sdelay $0x3  }
0x99: {  	_ =	strace s18  }
0x9a: {  	s5 =	sld [smem:$0x3FFC];
	_ =	sdelay $0x3  }
0x9b: {  	_ =	strace s5  }
0x9c: {  	s5 =	sld [smem:$0x3FFD];
	_ =	sdelay $0x3  }
0x9d: {  	_ =	strace s5  }
0x9e: {  	_ =	strace $0x8FFFFFFF  }
0x9f: {  	s19 =	sld [smem:$0x3FDB];
	_ =	sdelay $0x1  }
0xa0: {  	s20 =	simm.s32 $_scs_section_size  }
0xa1: {  	s7 =	simm.s32 $_size__tile_overlayer_lowered;
	s8 =	simm.s32 $_tile_overlayer_lowered  }
0xa2: {  	s23 =	simm.s32 $0x1BFF;
	s22 =	sshll.u32 s8, $0x1;
	s5 =	sadd.s32 s20, s19  }
0xa3: {  	s9 =	simm.s32 $0x0;
	s21 =	sshll.u32 s7, $0x1;
	s7 =	sadd.s32 s22, s5  }
0xa4: {  	[timem:s9], [sflag:s23] =	dma.local [hbm:s7], s21  }
0xa5: {  	_ =	swait.ge [sflag:s23], s21  }
0xa6: {  	s6 =	ssub.s32 $0x0, s21;
	[sflag:s23] =	ssyncset.done $0x0  }
0xa7: {  	[sflag:s23] =	ssyncadd.s32 s6;
	_ =	sdelay $0x1  }
0xa8: {  	s24 =	simm.s32 $0x1B8B  }
0xa9: {  	_ =	swait.ge [sflag:s24], $0x1  }
0xaa: {  	[sflag:s24] =	ssyncset.done $0x0  }
0xab: {  	s25 =	simm.s32 $0x1B8E;
	[sflag:s24] =	ssyncadd.s32 $0xFFFFFFFF  }
0xac: {  	s26 =	simm.s32 $execute0_lowered;
	[smem:$0x3FD2] =	sst s25  }
0xad: {  	s6 =	sshll.u32 s26, $0x1;
	_ =	strace $0x80000046;
	[dreg:$0x1] =	wrdreg $0xFFFFFFFF  }
0xae: {  	s28 =	simm.s32 $_size_execute0_lowered;
	s5 =	sadd.s32 s5, s6;
	[dreg:$0x0] =	wrdreg $0x0  }
0xaf: {  	s6 =	sshll.u32 s28, $0x1;
	[dreg:$0x2] =	wrdreg s5  }
0xb0: {  	[dreg:$0x3] =	wrdreg s6  }
0xb1: {  	[dreg:$0x4] =	wrdreg $0xC0  }
0xb2: {  	_ =	task [dreg:s9], $0x5FFFF  }
0xb3: {  	[dreg:$0x1] =	wrdreg $0xFFFFFFFF  }
0xb4: {  	[dreg:$0x0] =	wrdreg $0x60  }
0xb5: {  	[dreg:$0x2] =	wrdreg s4  }
0xb6: {  	[dreg:$0x3] =	wrdreg s16  }
0xb7: {  	[dreg:$0x4] =	wrdreg s17  }
0xb8: {  	[dreg:$0x5] =	wrdreg $0x9  }
0xb9: {  	_ =	task.clear_ibuf [dreg:s9], $0x6FFFF;
	_ =	strace $0x90000046  }
0xba: {  	s29 =	simm.s32 $0x9;
	_ =	strace $0x80000048  }
0xbb: {  	_ =	swait.ge [sflag:s29], $0x1  }
0xbc: {  	[sflag:s29] =	ssyncadd.s32 $0xFFFFFFFF  }
0xbd: {  	_ =	strace $0x90000048  }
0xbe: {  	_ =	sfence  }
0xbf: {  	s30 =	sld [smem:$0x0];
	_ =	sdelay $0x2  }
0xc0: {  	s31 =	sshll.u32 s1, $0xD;
	s1 =	sshrl.u32 s1, $0x2  }
0xc1: {  	s3 =	sand.u32 $0x4000, s31;
	s1 =	sadd.s32 s1, s30  }
0xc2: {  	s0 =	sor.u32 s3, s0;
	s1 =	sshll.u32 s1, $0x11  }
0xc3: {  	s0 =	sor.u32 s1, s0  }
0xc4: {  	s0 =	sadd.s32 $0x8F2B, s0  }
0xc5: {  	[sflag:s0] =	ssyncadd.remote.s32 $0x1  }
0xc6: {  	_ =	sfence.sel $0xFFFF  }
0xc7: {  	[dreg:$0x0] =	wrdreg $0xFFFFFFFF;
	(pc) =	sbr.abs _section_cstart, $3  }
0xc8: {  	[dreg:$0x1] =	wrdreg $0xFFFFFFFF  }
0xc9: {  	_ =	task.clear_ibuf [dreg:s9], $0x2FFFF;
	_ =	strace $0x9FFFFFFF  }
0xca: {  	(tm) =	ssettm $0x7FFFFFFF  }
0xcb: {  	_ =	shalt  }
tec
execute0_lowered:
.L_overlay_start_1:
0x0: {  	(tag) =	ssettag $0x1  }
0x1: {  	s1 =	rddreg [dreg:$0x0]  }
0x2: {  	s2 =	srdreg.scid;
	s4 =	rddreg [dreg:$0x1]  }
0x3: {  	s0 =	stileid.u32;
	s5 =	rddreg [dreg:$0x2]  }
0x4: {  	s3 =	simm.s32 $0x0;
	s17 =	simm.s32 $0x880;
	s18 =	simm.s32 $0x1080  }
0x5: {  	s19 =	simm.s32 $0x1880;
	s21 =	simm.s32 $0x2080;
	s22 =	simm.s32 $0x2880  }
0x6: {  	s23 =	simm.s32 $0x3080;
	s24 =	simm.s32 $0x3880;
	[smem:$0x7FF] =	sst s3  }
0x7: {  	s8 =	simm.s32 $0x4080;
	_ =	strace $0x80000047;
	[dreg:$0x6] =	wrdreg s17  }
0x8: {  	s25 =	simm.s32 $0x4880;
	s26 =	simm.s32 $0x5080;
	[dreg:$0x7] =	wrdreg s18  }
0x9: {  	s9 =	simm.s32 $0x80;
	s11 =	simm.s32 $0x6080;
	[dreg:$0x8] =	wrdreg s19  }
0xa: {  	s12 =	simm.s32 $0x6880;
	s13 =	simm.s32 $0x7080;
	[dreg:$0x9] =	wrdreg s21  }
0xb: {  	s14 =	simm.s32 $0x7880;
	s15 =	simm.s32 $0x8080;
	[dreg:$0xa] =	wrdreg s22  }
0xc: {  	s28 =	simm.s32 $0xE080;
	s29 =	simm.s32 $0xE880;
	[dreg:$0xb] =	wrdreg s23  }
0xd: {  	s30 =	simm.s32 $0xF080;
	s31 =	simm.s32 $0xF880;
	[dreg:$0xc] =	wrdreg s24  }
0xe: {  	s2 =	sand.u32 $0x1, s2;
	s6 =	sshll.u32 s0, $0x7;
	[dreg:$0xd] =	wrdreg s8  }
0xf: {  	s7 =	sshll.u32 s2, $0x6;
	s2 =	ssub.s32 $0x2, s2;
	[dreg:$0xe] =	wrdreg s25  }
0x10: {  	s8 =	simm.s32 $0x2;
	[dreg:$0xf] =	wrdreg s26;
	s17 =	simm.s32 $0x9080  }
0x11: {  	s18 =	simm.s32 $0x9880;
	s19 =	simm.s32 $0xA080;
	s21 =	simm.s32 $0xB080  }
0x12: {  	s22 =	simm.s32 $0xB880;
	s23 =	simm.s32 $0xC080;
	s24 =	simm.s32 $0xC880  }
0x13: {  	s25 =	simm.s32 $0xD080;
	s26 =	simm.s32 $0xD880;
	s6 =	sor.u32 s7, s6  }
0x14: {  	s20 =	sshrl.u32 s2, $0x1;
	s7 =	sshrl.u32 s6, $0x3;
	s6 =	sshll.u32 s6, $0x7  }
0x15: {  	s2 =	ssub.s32 s2, s20;
	s20 =	simm.s32 $0xA880;
	s4 =	sadd.s32 s4, s7  }
0x16: {  	v2 =	vlaneseq.u32;
	s16 =	sadd.s32 s5, s6;
	s5 =	sadd.s32 $0x200, s1;
	s6 =	sadd.s32 $0x300, s1  }
0x17: {  	vm0 =	vmmov $0xffff;
	v1 =	vshrl.u32 v2, $0x3;
	s7 =	smax.u32 s2, $0x1;
	s2 =	simm.s32 $0x1;
	[dreg:$0x4] =	wrdreg s4  }
0x18: {  	v0 =	vand.u32 $0x7, v2;
	v2 =	vor.u32 $0x8, v2;
	v1 =	vmul.u32 $0x8, v1;
	[dreg:$0x5] =	wrdreg s16;
	s4 =	sadd.s32 $0x100, s1;
	s16 =	simm.s32 $0x8880  }
.LBB2_1:
0x19: {  	s0 =	rddreg [dreg:$0x4]  }
0x1a: {  	[tilespmem:s3], [sflag:$0x2] =	stream.linear.gather [hbm4b:s0+s3], $0x40, $0x38;
	[tilespmem:$0x10080] =	vst v63  }
0x1b: {  	_ =	swait.ge [sflag:s8], $0x40  }
0x1c: {  	[sflag:s8] =	ssyncset.done $0x0  }
0x1d: {  	[sflag:s8] =	ssyncadd.s32 $0xFFFFFFC0  }
0x1e: {  	v3 =	vld [tilespmem:$0x0];
	_ =	sdelay $0x4  }
0x1f: {  	v4 =	vshll.u32 v3, $0x3  }
0x20: {  	v3 =	vand.u32 $0x7, v3;
	v4 =	vand.u32 $0xFFFFFFC0, v4  }
0x21: {  	v3 =	vor.u32 v3, v4  }
0x22: {  	v4 =	vperm.xlane v3, v0;
	_ =	sdelay $0x1  }
0x23: {  	v4 =	vadd.s32 v1, v4;
	_ =	sdelay $0x4  }
0x24: {  	[tilespmem:s9], [sflag:$0x1] =	stream.indirect_vreg.gather [hbm4b:s1+s3], $0x80, v4, vm0, $0xb8;
	[tilespmem:$0x10080] =	vst v63  }
0x25: {  	s0 =	rddreg [dreg:$0x6];
	v3 =	vperm.xlane v3, v2  }
0x26: {  	[tilespmem:s0], [sflag:$0x1] =	stream.indirect_vreg.gather [hbm4b:s4+s3], $0x80, v4, vm0, $0xb8;
	[tilespmem:$0x10080] =	vst v63  }
0x27: {  	s10 =	rddreg [dreg:$0x7];
	v3 =	vadd.s32 v1, v3  }
0x28: {  	[tilespmem:s10], [sflag:$0x1] =	stream.indirect_vreg.gather [hbm4b:s5+s3], $0x80, v4, vm0, $0xb8;
	[tilespmem:$0x10080] =	vst v63  }
0x29: {  	s0 =	rddreg [dreg:$0x8]  }
0x2a: {  	[tilespmem:s0], [sflag:$0x1] =	stream.indirect_vreg.gather [hbm4b:s6+s3], $0x80, v4, vm0, $0xb8;
	[tilespmem:$0x10080] =	vst v63  }
0x2b: {  	s10 =	rddreg [dreg:$0x9]  }
0x2c: {  	[tilespmem:s10], [sflag:$0x1] =	stream.indirect_vreg.gather [hbm4b:s1+s3], $0x80, v3, vm0, $0xb8;
	[tilespmem:$0x10080] =	vst v63  }
0x2d: {  	s0 =	rddreg [dreg:$0xa]  }
0x2e: {  	[tilespmem:s0], [sflag:$0x1] =	stream.indirect_vreg.gather [hbm4b:s4+s3], $0x80, v3, vm0, $0xb8;
	[tilespmem:$0x10080] =	vst v63  }
0x2f: {  	s10 =	rddreg [dreg:$0xb]  }
0x30: {  	[tilespmem:s10], [sflag:$0x1] =	stream.indirect_vreg.gather [hbm4b:s5+s3], $0x80, v3, vm0, $0xb8;
	[tilespmem:$0x10080] =	vst v63  }
0x31: {  	s0 =	rddreg [dreg:$0xc]  }
0x32: {  	[tilespmem:s0], [sflag:$0x1] =	stream.indirect_vreg.gather [hbm4b:s6+s3], $0x80, v3, vm0, $0xb8;
	[tilespmem:$0x10080] =	vst v63  }
0x33: {  	v3 =	vld [tilespmem:$0x10];
	_ =	sdelay $0x4  }
0x34: {  	v61 =	vshll.u32 v3, $0x3  }
0x35: {  	v3 =	vand.u32 $0x7, v3;
	v4 =	vand.u32 $0xFFFFFFC0, v61  }
0x36: {  	v3 =	vor.u32 v3, v4  }
0x37: {  	v4 =	vperm.xlane v3, v0;
	_ =	sdelay $0x1  }
0x38: {  	v4 =	vadd.s32 v1, v4;
	_ =	sdelay $0x3  }
0x39: {  	s0 =	rddreg [dreg:$0xd]  }
0x3a: {  	[tilespmem:s0], [sflag:$0x1] =	stream.indirect_vreg.gather [hbm4b:s1+s3], $0x80, v4, vm0, $0xb8;
	[tilespmem:$0x10080] =	vst v63  }
0x3b: {  	s10 =	rddreg [dreg:$0xe];
	v3 =	vperm.xlane v3, v2  }
0x3c: {  	[tilespmem:s10], [sflag:$0x1] =	stream.indirect_vreg.gather [hbm4b:s4+s3], $0x80, v4, vm0, $0xb8;
	[tilespmem:$0x10080] =	vst v63  }
0x3d: {  	v3 =	vadd.s32 v1, v3;
	s0 =	rddreg [dreg:$0xf]  }
0x3e: {  	[tilespmem:s0], [sflag:$0x1] =	stream.indirect_vreg.gather [hbm4b:s5+s3], $0x80, v4, vm0, $0xb8;
	[tilespmem:$0x10080] =	vst v63  }
0x3f: {  	s10 =	simm.s32 $0x5880  }
0x40: {  	[tilespmem:s10], [sflag:$0x1] =	stream.indirect_vreg.gather [hbm4b:s6+s3], $0x80, v4, vm0, $0xb8;
	[tilespmem:$0x10080] =	vst v63  }
0x41: {  	_ = 	snop  }
0x42: {  	[tilespmem:s11], [sflag:$0x1] =	stream.indirect_vreg.gather [hbm4b:s1+s3], $0x80, v3, vm0, $0xb8;
	[tilespmem:$0x10080] =	vst v63  }
0x43: {  	_ = 	snop  }
0x44: {  	[tilespmem:s12], [sflag:$0x1] =	stream.indirect_vreg.gather [hbm4b:s4+s3], $0x80, v3, vm0, $0xb8;
	[tilespmem:$0x10080] =	vst v63  }
0x45: {  	_ = 	snop  }
0x46: {  	[tilespmem:s13], [sflag:$0x1] =	stream.indirect_vreg.gather [hbm4b:s5+s3], $0x80, v3, vm0, $0xb8;
	[tilespmem:$0x10080] =	vst v63  }
0x47: {  	_ = 	snop  }
0x48: {  	[tilespmem:s14], [sflag:$0x1] =	stream.indirect_vreg.gather [hbm4b:s6+s3], $0x80, v3, vm0, $0xb8;
	[tilespmem:$0x10080] =	vst v63  }
0x49: {  	v3 =	vld [tilespmem:$0x20];
	_ =	sdelay $0x4  }
0x4a: {  	v62 =	vshll.u32 v3, $0x3  }
0x4b: {  	v3 =	vand.u32 $0x7, v3;
	v4 =	vand.u32 $0xFFFFFFC0, v62  }
0x4c: {  	v3 =	vor.u32 v3, v4  }
0x4d: {  	v4 =	vperm.xlane v3, v0;
	_ =	sdelay $0x1  }
0x4e: {  	v4 =	vadd.s32 v1, v4;
	_ =	sdelay $0x4  }
0x4f: {  	[tilespmem:s15], [sflag:$0x1] =	stream.indirect_vreg.gather [hbm4b:s1+s3], $0x80, v4, vm0, $0xb8;
	[tilespmem:$0x10080] =	vst v63  }
0x50: {  	v3 =	vperm.xlane v3, v2  }
0x51: {  	[tilespmem:s16], [sflag:$0x1] =	stream.indirect_vreg.gather [hbm4b:s4+s3], $0x80, v4, vm0, $0xb8;
	[tilespmem:$0x10080] =	vst v63  }
0x52: {  	v3 =	vadd.s32 v1, v3  }
0x53: {  	[tilespmem:s17], [sflag:$0x1] =	stream.indirect_vreg.gather [hbm4b:s5+s3], $0x80, v4, vm0, $0xb8;
	[tilespmem:$0x10080] =	vst v63  }
0x54: {  	_ = 	snop  }
0x55: {  	[tilespmem:s18], [sflag:$0x1] =	stream.indirect_vreg.gather [hbm4b:s6+s3], $0x80, v4, vm0, $0xb8;
	[tilespmem:$0x10080] =	vst v63  }
0x56: {  	_ = 	snop  }
0x57: {  	[tilespmem:s19], [sflag:$0x1] =	stream.indirect_vreg.gather [hbm4b:s1+s3], $0x80, v3, vm0, $0xb8;
	[tilespmem:$0x10080] =	vst v63  }
0x58: {  	_ = 	snop  }
0x59: {  	[tilespmem:s20], [sflag:$0x1] =	stream.indirect_vreg.gather [hbm4b:s4+s3], $0x80, v3, vm0, $0xb8;
	[tilespmem:$0x10080] =	vst v63  }
0x5a: {  	_ = 	snop  }
0x5b: {  	[tilespmem:s21], [sflag:$0x1] =	stream.indirect_vreg.gather [hbm4b:s5+s3], $0x80, v3, vm0, $0xb8;
	[tilespmem:$0x10080] =	vst v63  }
0x5c: {  	_ = 	snop  }
0x5d: {  	[tilespmem:s22], [sflag:$0x1] =	stream.indirect_vreg.gather [hbm4b:s6+s3], $0x80, v3, vm0, $0xb8;
	[tilespmem:$0x10080] =	vst v63  }
0x5e: {  	v3 =	vld [tilespmem:$0x30];
	_ =	sdelay $0x4  }
0x5f: {  	v63 =	vshll.u32 v3, $0x3  }
0x60: {  	v3 =	vand.u32 $0x7, v3;
	v4 =	vand.u32 $0xFFFFFFC0, v63  }
0x61: {  	v3 =	vor.u32 v3, v4  }
0x62: {  	v4 =	vperm.xlane v3, v0;
	_ =	sdelay $0x1  }
0x63: {  	v4 =	vadd.s32 v1, v4;
	_ =	sdelay $0x4  }
0x64: {  	[tilespmem:s23], [sflag:$0x1] =	stream.indirect_vreg.gather [hbm4b:s1+s3], $0x80, v4, vm0, $0xb8;
	[tilespmem:$0x10080] =	vst v63  }
0x65: {  	v3 =	vperm.xlane v3, v2  }
0x66: {  	[tilespmem:s24], [sflag:$0x1] =	stream.indirect_vreg.gather [hbm4b:s4+s3], $0x80, v4, vm0, $0xb8;
	[tilespmem:$0x10080] =	vst v63  }
0x67: {  	v3 =	vadd.s32 v1, v3  }
0x68: {  	[tilespmem:s25], [sflag:$0x1] =	stream.indirect_vreg.gather [hbm4b:s5+s3], $0x80, v4, vm0, $0xb8;
	[tilespmem:$0x10080] =	vst v63  }
0x69: {  	_ = 	snop  }
0x6a: {  	[tilespmem:s26], [sflag:$0x1] =	stream.indirect_vreg.gather [hbm4b:s6+s3], $0x80, v4, vm0, $0xb8;
	[tilespmem:$0x10080] =	vst v63  }
0x6b: {  	_ = 	snop  }
0x6c: {  	[tilespmem:s28], [sflag:$0x1] =	stream.indirect_vreg.gather [hbm4b:s1+s3], $0x80, v3, vm0, $0xb8;
	[tilespmem:$0x10080] =	vst v63  }
0x6d: {  	_ = 	snop  }
0x6e: {  	[tilespmem:s29], [sflag:$0x1] =	stream.indirect_vreg.gather [hbm4b:s4+s3], $0x80, v3, vm0, $0xb8;
	[tilespmem:$0x10080] =	vst v63  }
0x6f: {  	_ = 	snop  }
0x70: {  	[tilespmem:s30], [sflag:$0x1] =	stream.indirect_vreg.gather [hbm4b:s5+s3], $0x80, v3, vm0, $0xb8;
	[tilespmem:$0x10080] =	vst v63  }
0x71: {  	_ = 	snop  }
0x72: {  	[tilespmem:s31], [sflag:$0x1] =	stream.indirect_vreg.gather [hbm4b:s6+s3], $0x80, v3, vm0, $0xb8;
	[tilespmem:$0x10080] =	vst v63  }
0x73: {  	_ =	swait.ge [sflag:s2], $0x10000  }
0x74: {  	p0 =	sne.s32 s7, $0x1;
	[sflag:s2] =	ssyncset.done $0x0  }
.Ltmp0:
0x75: {  	s10 =	rddreg [dreg:$0x5];
	[sflag:s2] =	ssyncadd.s32 $0xFFFF0000;
	(pc) =	sbr.rel @p0 .LBB2_1-.Ltmp0, $4  }
0x76: {  	[hbm4b:s10+s3] =	stream.linear.scatter [tilespmem:s9], [sflag:$0x2], $0x10000, $0x38;
	[tilespmem:$0x10080] =	vst v63  }
0x77: {  	_ =	swait.ge [sflag:s8], $0x10000  }
0x78: {  	[sflag:s8] =	ssyncset.done $0x0  }
0x79: {  	s7 =	sadd.s32 $0xFFFFFFFF, s7;
	[sflag:s8] =	ssyncadd.s32 $0xFFFF0000  }
0x7a: {  	_ =	sfence.sel $0x180000  }
0x7b: {  	[bflag:$0x0] =	sbarrier.arrive $0xFFFF  }
0x7c: {  	_ =	strace $0x90000047  }
0x7d: {  	s0 =	stileid.u32;
	[bflag:$0x2] =	sbarrier.arrive $0xFFFF  }
0x7e: {  	p0 =	sne.s32 s0, $0x0;
	s0 =	rddreg [dreg:$0x3]  }
0x7f: {  	s0 =	sadd.s32 @!p0 $0x100000, s0  }
0x80: {  	[sflag:s0] =	ssyncadd.tile.s32 @!p0 $0x1;
	_ =	shalt  }
.Lfunc_end2:
_tile_overlayer_lowered:
.L_overlay_start_2:
0x81: {  	(tag) =	ssettag $0x2  }
0x82: {  	s0 =	rddreg [dreg:$0x0];
	s2 =	stileid.u32  }
0x83: {  	s1 =	rddreg [dreg:$0x1];
	p0 =	sne.s32 s2, $0x0  }
0x84: {  	s3 =	rddreg [dreg:$0x2];
	[bflag:$0x3] =	sbarrier.arrive $0xFFFF;
	s2 =	simm.s32 @!p0 $0x1C02  }
0x85: {  	[timem:s3], [sflag:s2] =	dma.local @!p0 [hbm:s0], s1  }
0x86: {  	s0 =	simm.s32 @!p0 $0x2  }
0x87: {  	_ =	swait.ge @!p0 [sflag:s0], s1  }
0x88: {  	s1 =	ssub.s32 @!p0 $0x0, s1;
	[sflag:s0] =	ssyncset.done @!p0 $0x0  }
0x89: {  	[sflag:s0] =	ssyncadd.s32 @!p0 s1  }
0x8a: {  	[bflag:$0x3] =	sbarrier.arrive $0xFFFF  }
0x8b: {  	_ =	shalt  }

</sc_bundles>
